<compile_context>
chip_gen: v7x
topology: tpu7x:2x2x1
jax: 0.10.2.dev20260603
libtpu: 0.0.44.dev20260713+nightly
codegen_flags: <defaults>
</compile_context>

<pallas_src>
import jax
import jax.numpy as jnp
from jax import lax
from jax.experimental import pallas as pl
from jax.experimental.pallas import tpu as pltpu
from jax.experimental.pallas import tpu_sc as plsc

_NC = 2
_NS = 16
_NW = _NC * _NS


def _sc_body(v_hbm, m_hbm, vo_hbm, mo_hbm, vbuf, mbuf, obuf, vsem):
    wid = lax.axis_index("s") * _NC + lax.axis_index("c")
    vrows = v_hbm.shape[0] // _NW
    melts = m_hbm.shape[0] // _NW
    vbase = wid * vrows
    mbase = wid * melts
    pltpu.async_copy(v_hbm.at[pl.ds(vbase, vrows)], vbuf, vsem).start()
    pltpu.sync_copy(m_hbm.at[pl.ds(mbase, melts)], mbuf)

    def _cast(i, carry):
        sl = pl.ds(i * 16, 16)
        obuf[sl] = jnp.sign(jnp.abs(mbuf[sl])).astype(jnp.int32)
        return carry

    lax.fori_loop(0, melts // 16, _cast, 0)
    pltpu.sync_copy(obuf, mo_hbm.at[pl.ds(mbase, melts)])
    pltpu.async_copy(v_hbm.at[pl.ds(vbase, vrows)], vbuf, vsem).wait()
    pltpu.sync_copy(vbuf, vo_hbm.at[pl.ds(vbase, vrows)])


def kernel(x, v, mask):
    B, C, P = x.shape
    Vc = v.shape[1]
    vrows = B * Vc
    melts = B * P
    v2 = v.reshape(vrows, P)
    m2 = mask.reshape(melts)
    sc = pl.kernel(
        _sc_body,
        out_type=[
            jax.ShapeDtypeStruct((vrows, P), v.dtype),
            jax.ShapeDtypeStruct((melts,), jnp.int32),
        ],
        mesh=plsc.VectorSubcoreMesh(core_axis_name="c", subcore_axis_name="s"),
        scratch_types=[
            pltpu.VMEM((vrows // _NW, P), v.dtype),
            pltpu.VMEM((melts // _NW,), jnp.float32),
            pltpu.VMEM((melts // _NW,), jnp.int32),
            pltpu.SemaphoreType.DMA,
        ],
    )
    vo, mo = sc(v2, m2)
    return (x, vo.reshape(B, Vc, P), mo.astype(jnp.bool_).reshape(B, 1, P))

# --- scband reference (transcript-rebuilt; emitter-appended) ---
"""Pipeline reference for scband-sequence-trimmer-83674552860949 (READ-ONLY COPY).

The authoritative reference and input builder live on the scoring server;
editing this copy changes nothing except your own understanding.
"""

import jax, jax.numpy as jnp
import numpy as np


def setup_inputs(seed: int = 0) -> dict:
    key = jax.random.key(seed)
    k1, k2, k3 = jax.random.split(key, 3)
    B, C, P = 256, 128, 512
    x = jax.random.normal(k1, (B, C, P), dtype=jnp.float32)
    v = jax.random.normal(k2, (B, 4, P), dtype=jnp.float32)
    mask = jax.random.randint(k3, (B, 1, P), 0, 2).astype(jnp.float32)
    return {"x": x, "v": v, "mask": mask}


def reference(x, v, mask):
    # SequenceTrimmer with enabled=False (constructor default used here).
    # call(): if mask is None -> ones_like(x[:, :1]); cast mask to bool;
    # since self.enabled is False the trimming branch is skipped entirely
    # and the inputs are returned unchanged (uu=None is passed through).
    if mask is None:
        mask = jnp.ones_like(x[:, :1])
    mask = mask.astype(bool)
    uu = None
    return (x, v, mask)

if __name__ == "__main__":
    import jax
    _d = setup_inputs()
    print(jax.jit(kernel)(*tuple(_d.values())))

</pallas_src>

<mosaic_0001>
#map = affine_map<(d0, d1) -> (0, 0)>
#map1 = affine_map<(d0, d1) -> (0)>
module attributes {stable_mosaic.version = 14 : i64} {
  func.func @_sc_body(%arg0: i32, %arg1: i32, %arg2: memref<1024x512xf32, #tpu.memory_space<hbm>>, %arg3: memref<131072xf32, #tpu.memory_space<hbm>>, %arg4: memref<1024x512xf32, #tpu.memory_space<hbm>>, %arg5: memref<131072xi32, #tpu.memory_space<hbm>>, %arg6: memref<32x512xf32, #tpu.memory_space<vmem>>, %arg7: memref<4096xf32, #tpu.memory_space<vmem>>, %arg8: memref<4096xi32, #tpu.memory_space<vmem>>, %arg9: memref<!tpu.dma_semaphore, #tpu.memory_space<semaphore_mem>>) attributes {dimension_semantics = [#tpu.dimension_semantics<core_parallel>, #tpu.dimension_semantics<subcore_parallel>], iteration_bounds = array<i64: 2, 16>, scalar_prefetch = 0 : i64, scratch_operands = 4 : i64, tpu.core_type = #tpu.core_type<sc_vector_subcore>, window_params = [{transform_indices = #map}, {transform_indices = #map1}, {transform_indices = #map}, {transform_indices = #map1}]} {
    %mul3A = arith.constant 2 : i32
    %mul3A_0 = arith.muli %arg1, %mul3A : i32
    %add3A = arith.addi %mul3A_0, %arg0 : i32
    %mul3A_1 = arith.constant 32 : i32
    %mul3A_2 = arith.muli %add3A, %mul3A_1 : i32
    %mul3A_3 = arith.constant 4096 : i32
    %mul3A_4 = arith.muli %add3A, %mul3A_3 : i32
    %dma_start3A = arith.constant 0 : i32
    %dma_start3A_5 = tpu.memref_slice %arg2[%mul3A_2, %dma_start3A] : memref<1024x512xf32, #tpu.memory_space<hbm>> -> memref<32x512xf32, #tpu.memory_space<hbm>>
    %dma_start3A_6 = arith.constant 0 : i32
    %dma_start3A_7 = tpu.memref_slice %arg2[%mul3A_2, %dma_start3A_6] : memref<1024x512xf32, #tpu.memory_space<hbm>> -> memref<32x512xf32, #tpu.memory_space<hbm>>
    tpu.enqueue_dma source(%dma_start3A_7 : memref<32x512xf32, #tpu.memory_space<hbm>>) target(%arg6 : memref<32x512xf32, #tpu.memory_space<vmem>>) target_semaphore(%arg9 : memref<!tpu.dma_semaphore, #tpu.memory_space<semaphore_mem>>)
    %dma_start3A_8 = arith.constant 0 : i32
    %dma_start3A_9 = tpu.memref_slice %arg2[%mul3A_2, %dma_start3A_8] : memref<1024x512xf32, #tpu.memory_space<hbm>> -> memref<32x512xf32, #tpu.memory_space<hbm>>
    %dma_start3A_10 = arith.constant 0 : i32
    %dma_start3A_11 = tpu.memref_slice %arg2[%mul3A_2, %dma_start3A_10] : memref<1024x512xf32, #tpu.memory_space<hbm>> -> memref<32x512xf32, #tpu.memory_space<hbm>>
    tpu.enqueue_dma source(%dma_start3A_11 : memref<32x512xf32, #tpu.memory_space<hbm>>) target(%arg6 : memref<32x512xf32, #tpu.memory_space<vmem>>) target_semaphore(%arg9 : memref<!tpu.dma_semaphore, #tpu.memory_space<semaphore_mem>>)
    "tpu.region"() ({
      %run_scoped3A = tpu.sem_alloc : memref<!tpu.dma_semaphore, #tpu.memory_space<semaphore_mem>>
      %dma_start3A_24 = tpu.memref_slice %arg3[%mul3A_4] : memref<131072xf32, #tpu.memory_space<hbm>> -> memref<4096xf32, #tpu.memory_space<hbm>>
      %dma_start3A_25 = tpu.memref_slice %arg3[%mul3A_4] : memref<131072xf32, #tpu.memory_space<hbm>> -> memref<4096xf32, #tpu.memory_space<hbm>>
      tpu.enqueue_dma source(%dma_start3A_25 : memref<4096xf32, #tpu.memory_space<hbm>>) target(%arg7 : memref<4096xf32, #tpu.memory_space<vmem>>) target_semaphore(%run_scoped3A : memref<!tpu.dma_semaphore, #tpu.memory_space<semaphore_mem>>)
      %dma_wait3A_26 = tpu.memref_slice %arg3[%mul3A_4] : memref<131072xf32, #tpu.memory_space<hbm>> -> memref<4096xf32, #tpu.memory_space<hbm>>
      %dma_wait3A_27 = tpu.memref_slice %arg3[%mul3A_4] : memref<131072xf32, #tpu.memory_space<hbm>> -> memref<4096xf32, #tpu.memory_space<hbm>>
      tpu.wait_dma2 semaphore(%run_scoped3A : memref<!tpu.dma_semaphore, #tpu.memory_space<semaphore_mem>>) src(%dma_wait3A_27 : memref<4096xf32, #tpu.memory_space<hbm>>) dst(%arg7 : memref<4096xf32, #tpu.memory_space<vmem>>)
      tpu.yield
    }) : () -> ()
    %scan3A = arith.constant 0 : i32
    %scan3A_12 = arith.constant 0 : i32
    %scan3A_13 = arith.constant 256 : i32
    %scan3A_14 = arith.addi %scan3A_12, %scan3A_13 : i32
    %scan3A_15 = arith.constant 1 : i32
    scf.for %scan3A_24 = %scan3A_12 to %scan3A_14 step %scan3A_15  : i32 {
      %mul3A_25 = arith.constant 16 : i32
      %mul3A_26 = arith.muli %scan3A_24, %mul3A_25 : i32
      %get3A = arith.index_cast %mul3A_26 : i32 to index
      %get3A_27 = tpu.vector_load %arg7[%get3A] {strides = array<i32>} : memref<4096xf32, #tpu.memory_space<vmem>>, vector<16xf32>,
      %get3A_28 = vector.shape_cast %get3A_27 : vector<16xf32> to vector<16xf32>
      %abs3A = math.absf %get3A_28 : vector<16xf32>
      %sign3A = tpu.bitcast %abs3A : vector<16xf32> -> vector<16xi32>
      %sign3A_29 = arith.constant -2147483648 : i32
      %sign3A_30 = vector.broadcast %sign3A_29 : i32 to vector<16xi32>
      %sign3A_31 = arith.andi %sign3A, %sign3A_30 : vector<16xi32>
      %sign3A_32 = arith.constant 1065353216 : i32
      %sign3A_33 = vector.broadcast %sign3A_32 : i32 to vector<16xi32>
      %sign3A_34 = arith.ori %sign3A_33, %sign3A_31 : vector<16xi32>
      %sign3A_35 = tpu.bitcast %sign3A_34 : vector<16xi32> -> vector<16xf32>
      %sign3A_36 = math.absf %abs3A : vector<16xf32>
      %sign3A_37 = arith.constant 0.000000e+00 : f32
      %sign3A_38 = vector.broadcast %sign3A_37 : f32 to vector<16xf32>
      %sign3A_39 = arith.cmpf ogt, %sign3A_36, %sign3A_38 : vector<16xf32>
      %sign3A_40 = arith.select %sign3A_39, %sign3A_35, %abs3A : vector<16xi1>, vector<16xf32>
      %convert_element_type3A = arith.fptosi %sign3A_40 : vector<16xf32> to vector<16xi32>
      %swap3A = arith.index_cast %mul3A_26 : i32 to index
      %swap3A_41 = tpu.vector_load %arg8[%swap3A] {strides = array<i32>} : memref<4096xi32, #tpu.memory_space<vmem>>, vector<16xi32>,
      %swap3A_42 = vector.shape_cast %swap3A_41 : vector<16xi32> to vector<16xi32>
      %swap3A_43 = vector.shape_cast %convert_element_type3A : vector<16xi32> to vector<16xi32>
      tpu.vector_store %arg8[%swap3A], %swap3A_43 {strides = array<i32>} : memref<4096xi32, #tpu.memory_space<vmem>>, vector<16xi32>,
    }
    %scan3A_16 = arith.constant 256 : i32
    "tpu.region"() ({
      %run_scoped3A = tpu.sem_alloc : memref<!tpu.dma_semaphore, #tpu.memory_space<semaphore_mem>>
      %dma_start3A_24 = tpu.memref_slice %arg5[%mul3A_4] : memref<131072xi32, #tpu.memory_space<hbm>> -> memref<4096xi32, #tpu.memory_space<hbm>>
      %dma_start3A_25 = tpu.memref_slice %arg5[%mul3A_4] : memref<131072xi32, #tpu.memory_space<hbm>> -> memref<4096xi32, #tpu.memory_space<hbm>>
      tpu.enqueue_dma source(%arg8 : memref<4096xi32, #tpu.memory_space<vmem>>) target(%dma_start3A_25 : memref<4096xi32, #tpu.memory_space<hbm>>) target_semaphore(%run_scoped3A : memref<!tpu.dma_semaphore, #tpu.memory_space<semaphore_mem>>)
      %dma_wait3A_26 = tpu.memref_slice %arg5[%mul3A_4] : memref<131072xi32, #tpu.memory_space<hbm>> -> memref<4096xi32, #tpu.memory_space<hbm>>
      %dma_wait3A_27 = tpu.memref_slice %arg5[%mul3A_4] : memref<131072xi32, #tpu.memory_space<hbm>> -> memref<4096xi32, #tpu.memory_space<hbm>>
      tpu.wait_dma2 semaphore(%run_scoped3A : memref<!tpu.dma_semaphore, #tpu.memory_space<semaphore_mem>>) src(%arg8 : memref<4096xi32, #tpu.memory_space<vmem>>) dst(%dma_wait3A_27 : memref<4096xi32, #tpu.memory_space<hbm>>)
      tpu.yield
    }) : () -> ()
    %dma_start3A_17 = arith.constant 0 : i32
    %dma_start3A_18 = tpu.memref_slice %arg2[%mul3A_2, %dma_start3A_17] : memref<1024x512xf32, #tpu.memory_space<hbm>> -> memref<32x512xf32, #tpu.memory_space<hbm>>
    %dma_start3A_19 = arith.constant 0 : i32
    %dma_start3A_20 = tpu.memref_slice %arg2[%mul3A_2, %dma_start3A_19] : memref<1024x512xf32, #tpu.memory_space<hbm>> -> memref<32x512xf32, #tpu.memory_space<hbm>>
    tpu.enqueue_dma source(%dma_start3A_20 : memref<32x512xf32, #tpu.memory_space<hbm>>) target(%arg6 : memref<32x512xf32, #tpu.memory_space<vmem>>) target_semaphore(%arg9 : memref<!tpu.dma_semaphore, #tpu.memory_space<semaphore_mem>>)
    %dma_wait3A = arith.constant 0 : i32
    %dma_wait3A_21 = tpu.memref_slice %arg2[%mul3A_2, %dma_wait3A] : memref<1024x512xf32, #tpu.memory_space<hbm>> -> memref<32x512xf32, #tpu.memory_space<hbm>>
    %dma_wait3A_22 = arith.constant 0 : i32
    %dma_wait3A_23 = tpu.memref_slice %arg2[%mul3A_2, %dma_wait3A_22] : memref<1024x512xf32, #tpu.memory_space<hbm>> -> memref<32x512xf32, #tpu.memory_space<hbm>>
    tpu.wait_dma2 semaphore(%arg9 : memref<!tpu.dma_semaphore, #tpu.memory_space<semaphore_mem>>) src(%dma_wait3A_23 : memref<32x512xf32, #tpu.memory_space<hbm>>) dst(%arg6 : memref<32x512xf32, #tpu.memory_space<vmem>>)
    "tpu.region"() ({
      %run_scoped3A = tpu.sem_alloc : memref<!tpu.dma_semaphore, #tpu.memory_space<semaphore_mem>>
      %dma_start3A_24 = arith.constant 0 : i32
      %dma_start3A_25 = tpu.memref_slice %arg4[%mul3A_2, %dma_start3A_24] : memref<1024x512xf32, #tpu.memory_space<hbm>> -> memref<32x512xf32, #tpu.memory_space<hbm>>
      %dma_start3A_26 = arith.constant 0 : i32
      %dma_start3A_27 = tpu.memref_slice %arg4[%mul3A_2, %dma_start3A_26] : memref<1024x512xf32, #tpu.memory_space<hbm>> -> memref<32x512xf32, #tpu.memory_space<hbm>>
      tpu.enqueue_dma source(%arg6 : memref<32x512xf32, #tpu.memory_space<vmem>>) target(%dma_start3A_27 : memref<32x512xf32, #tpu.memory_space<hbm>>) target_semaphore(%run_scoped3A : memref<!tpu.dma_semaphore, #tpu.memory_space<semaphore_mem>>)
      %dma_wait3A_28 = arith.constant 0 : i32
      %dma_wait3A_29 = tpu.memref_slice %arg4[%mul3A_2, %dma_wait3A_28] : memref<1024x512xf32, #tpu.memory_space<hbm>> -> memref<32x512xf32, #tpu.memory_space<hbm>>
      %dma_wait3A_30 = arith.constant 0 : i32
      %dma_wait3A_31 = tpu.memref_slice %arg4[%mul3A_2, %dma_wait3A_30] : memref<1024x512xf32, #tpu.memory_space<hbm>> -> memref<32x512xf32, #tpu.memory_space<hbm>>
      tpu.wait_dma2 semaphore(%run_scoped3A : memref<!tpu.dma_semaphore, #tpu.memory_space<semaphore_mem>>) src(%arg6 : memref<32x512xf32, #tpu.memory_space<vmem>>) dst(%dma_wait3A_31 : memref<32x512xf32, #tpu.memory_space<hbm>>)
      tpu.yield
    }) : () -> ()
    return
  }
}

</mosaic_0001>

<sc_bundles>
// kernel: kernel.3.cloned.1.call-start
scs
__scs_entry_jumppad:
0x0: {  	(pc) =	sbr.rel $0x88, $3  }
0x1: {  	(tag) =	ssettag $0x0;
	lr =	simm.s32 $0x1  }
0x2: {  	[smem:$0x3F9E] =	sst lr;
	_ =	strace $0xD0000000  }
0x3: {  	_ = 	snop  }
0x4: {  	_ = 	snop  }
0x5: {  	_ = 	snop  }
0x6: {  	_ = 	snop  }
0x7: {  	_ = 	snop  }
__scs_overlays_trampoline_lowered:
0x8: {  	[smem:$0x3FAD] =	sst s0  }
0x9: {  	[smem:$0x3FAE] =	sst s1  }
0xa: {  	[smem:$0x3FAF] =	sst s2  }
0xb: {  	[smem:$0x3FB0] =	sst s3  }
0xc: {  	[smem:$0x3FB1] =	sst s4  }
0xd: {  	[smem:$0x3FB2] =	sst s5  }
0xe: {  	[smem:$0x3FB3] =	sst s6  }
0xf: {  	[smem:$0x3FB4] =	sst s7  }
0x10: {  	[smem:$0x3FB5] =	sst s8  }
0x11: {  	[smem:$0x3FB6] =	sst s9;
	s0 =	simm.s32 @!p0 $0x0  }
0x12: {  	s1 =	sld [smem:$0x3F9C];
	s0 =	simm.s32 @p0 $0x1  }
0x13: {  	[smem:$0x3FB7] =	sst s0;
	s0 =	simm.s32 @!p1 $0x0  }
0x14: {  	s2 =	sld [smem:$0x3F9B];
	s0 =	simm.s32 @p1 $0x1  }
0x15: {  	[smem:$0x3FB8] =	sst s0;
	s0 =	simm.s32 @!p2 $0x0  }
0x16: {  	s3 =	sld [smem:$0x3FDB];
	s0 =	simm.s32 @p2 $0x1  }
0x17: {  	s4 =	simm.s32 $0x1BF5;
	[smem:$0x3FBA] =	sst s0  }
0x18: {  	s0 =	sld [smem:$0x3F9D];
	_ =	swait.ge [sflag:s4], $0x0  }
0x19: {  	s7 =	sld [smem:$0x3F9E]  }
0x1a: {  	s8 =	sadd.s32 $0xFFFFE003, lr  }
0x1b: {  	s9 =	sadd.s32 $0xFFFFFEF7, lr;
	s5 =	simm.s32 $0xFFFFFFFF;
	p2 =	slt.u32 s8, $0xFFFFF086  }
0x1c: {  	p1 =	slt.u32 s9, $0xF7A;
	s5 =	simm.s32 @!p2 $0x0  }
0x1d: {  	s5 =	simm.s32 @p1 $0x1;
	p0 =	seq.s32 s7, s2  }
0x1e: {  	s7 =	smul.u32 @!p0 $0xF7A, s2;
	p2 =	seq.s32 @!p0 s5, $0x0  }
0x1f: {  	s9 =	smul.u32 $0xF7A, s1;
	s8 =	simm.s32 @!p0 $0x1BF5;
	p2 =	por !p2, p0  }
0x20: {  	[sflag:s8] =	ssyncset.s32 @!p0 $0xFFFFF086;
	s6 =	sadd.s32 @!p0 s3, s7;
	s7 =	simm.s32 @!p0 $0x108  }
0x21: {  	s3 =	sadd.s32 s3, s9;
	s6 =	sadd.s32 @!p0 $0x88, s6;
	s7 =	simm.s32 @p2 $0x1082  }
0x22: {  	[simem:s7], [sflag:s8] =	dma.local @!p0 [hbm:s6], $0xF7A  }
0x23: {  	s9 =	sor.u32 $0xD0000000, s2;
	s6 =	simm.s32 $0x108;
	_ =	swait.ge @!p0 [sflag:s8], $0x0  }
0x24: {  	s3 =	sadd.s32 $0x88, s3;
	s6 =	simm.s32 @!p1 $0x1082;
	[sflag:s4] =	ssyncset.s32 $0xFFFFF086  }
0x25: {  	[simem:s6], [sflag:s4] =	dma.local [hbm:s3], $0xF7A  }
0x26: {  	[smem:$0x3F9E] =	sst s1;
	(tag) =	ssettag s2;
	_ =	strace s9  }
0x27: {  	s1 =	sld [smem:$0x3FAE]  }
0x28: {  	s2 =	sld [smem:$0x3FAF]  }
0x29: {  	s4 =	sld [smem:$0x3FB1]  }
0x2a: {  	p0 =	seq.s32 s5, $0x0;
	s5 =	sld [smem:$0x3FB2]  }
0x2b: {  	s6 =	sld [smem:$0x3FB3]  }
0x2c: {  	s7 =	sld [smem:$0x3FB4]  }
0x2d: {  	s3 =	simm.s32 $0x108;
	s8 =	sld [smem:$0x3FB5]  }
0x2e: {  	s3 =	simm.s32 @!p0 $0x1082;
	s9 =	sld [smem:$0x3FB6]  }
0x2f: {  	lr =	sadd.s32 s0, s3;
	s0 =	sld [smem:$0x3FAD]  }
0x30: {  	s3 =	sld [smem:$0x3FB0]  }
0x31: {  	[smem:$0x3FB9] =	sst s10  }
0x32: {  	s10 =	sld [smem:$0x3FB7];
	_ =	sdelay $0x3  }
0x33: {  	p0 =	seq.s32 s10, $0x1;
	s10 =	sld [smem:$0x3FB9];
	_ =	sdelay $0x3  }
0x34: {  	[smem:$0x3FB9] =	sst s10  }
0x35: {  	s10 =	sld [smem:$0x3FB8];
	_ =	sdelay $0x3  }
0x36: {  	p1 =	seq.s32 s10, $0x1;
	s10 =	sld [smem:$0x3FB9];
	_ =	sdelay $0x3  }
0x37: {  	[smem:$0x3FB9] =	sst s10  }
0x38: {  	s10 =	sld [smem:$0x3FBA]  }
0x39: {  	_ = 	snop;
	(pc) =	sbr.ind lr, $3  }
0x3a: {  	_ = 	snop  }
0x3b: {  	_ = 	snop  }
0x3c: {  	p2 =	seq.s32 s10, $0x1;
	s10 =	sld [smem:$0x3FB9]  }
0x3d: {  	_ =	shalt  }
0x3e: {  	_ =	shalt  }
0x3f: {  	_ =	shalt  }
0x40: {  	_ =	shalt  }
0x41: {  	_ =	shalt  }
0x42: {  	_ =	shalt  }
0x43: {  	_ =	shalt  }
0x44: {  	_ =	shalt  }
0x45: {  	_ =	shalt  }
0x46: {  	_ =	shalt  }
0x47: {  	_ =	shalt  }
0x48: {  	_ =	shalt  }
0x49: {  	_ =	shalt  }
0x4a: {  	_ =	shalt  }
0x4b: {  	_ =	shalt  }
0x4c: {  	_ =	shalt  }
0x4d: {  	_ =	shalt  }
0x4e: {  	_ =	shalt  }
0x4f: {  	_ =	shalt  }
0x50: {  	_ =	shalt  }
0x51: {  	_ =	shalt  }
0x52: {  	_ =	shalt  }
0x53: {  	_ =	shalt  }
0x54: {  	_ =	shalt  }
0x55: {  	_ =	shalt  }
0x56: {  	_ =	shalt  }
0x57: {  	_ =	shalt  }
0x58: {  	_ =	shalt  }
0x59: {  	_ =	shalt  }
0x5a: {  	_ =	shalt  }
0x5b: {  	_ =	shalt  }
0x5c: {  	_ =	shalt  }
0x5d: {  	_ =	shalt  }
0x5e: {  	_ =	shalt  }
0x5f: {  	_ =	shalt  }
0x60: {  	_ =	shalt  }
0x61: {  	_ =	shalt  }
0x62: {  	_ =	shalt  }
0x63: {  	_ =	shalt  }
0x64: {  	_ =	shalt  }
0x65: {  	_ =	shalt  }
0x66: {  	_ =	shalt  }
0x67: {  	_ =	shalt  }
0x68: {  	_ =	shalt  }
0x69: {  	_ =	shalt  }
0x6a: {  	_ =	shalt  }
0x6b: {  	_ =	shalt  }
0x6c: {  	_ =	shalt  }
0x6d: {  	_ =	shalt  }
0x6e: {  	_ =	shalt  }
0x6f: {  	_ =	shalt  }
0x70: {  	_ =	shalt  }
0x71: {  	_ =	shalt  }
0x72: {  	_ =	shalt  }
0x73: {  	_ =	shalt  }
0x74: {  	_ =	shalt  }
0x75: {  	_ =	shalt  }
0x76: {  	_ =	shalt  }
0x77: {  	_ =	shalt  }
0x78: {  	_ =	shalt  }
0x79: {  	_ =	shalt  }
0x7a: {  	_ =	shalt  }
0x7b: {  	_ =	shalt  }
0x7c: {  	_ =	shalt  }
0x7d: {  	_ =	shalt  }
0x7e: {  	_ =	shalt  }
0x7f: {  	_ =	shalt  }
0x80: {  	_ =	shalt  }
0x81: {  	_ =	shalt  }
0x82: {  	_ =	shalt  }
0x83: {  	_ =	shalt  }
0x84: {  	_ =	shalt  }
0x85: {  	_ =	shalt  }
0x86: {  	_ =	shalt  }
0x87: {  	_ =	shalt  }
.Lfunc_end0:
.L_simem_size_0:
called_computation_lowered:
.L_overlay_start_0:
0x88: {  	s2 =	sld [smem:$0x3FD9]  }
0x89: {  	s3 =	sld [smem:$0x3FFE];
	_ =	sdelay $0x1  }
0x8a: {  	s1 =	srdreg.scid  }
0x8b: {  	s0 =	sand.u32 $0x1, s1  }
0x8c: {  	s14 =	sshll.u32 s0, $0xA;
	s2 =	sadd.s32 s3, s2  }
0x8d: {  	s2 =	sadd.s32 s2, s14  }
0x8e: {  	[smem:$0x3FC5] =	sst s2  }
0x8f: {  	_ = 	snop  }
0x90: {  	s2 =	sld [smem:$0x3FD0];
	_ =	sdelay $0x2  }
0x91: {  	s4 =	simm.s32 $0xA;
	s5 =	simm.s32 $0x10;
	s15 =	sld [smem:$0x3FC7]  }
0x92: {  	[smem:s5], [sflag:s4] =	dma.local [hbm:s2], $0x1  }
0x93: {  	_ =	swait.eq [sflag:s4], $0x1  }
0x94: {  	[sflag:s4] =	ssyncset.done $0x0  }
0x95: {  	s16 =	sld [smem:$0x10];
	[sflag:s4] =	ssyncadd.s32 $0xFFFFFFFF  }
0x96: {  	s17 =	sld [smem:$0x11];
	(tm) =	ssettm $0x1  }
0x97: {  	s18 =	sld [smem:$0x3FFB];
	_ =	sdelay $0x3  }
0x98: {  	_ =	strace s18  }
0x99: {  	s5 =	sld [smem:$0x3FFC];
	_ =	sdelay $0x3  }
0x9a: {  	_ =	strace s5  }
0x9b: {  	s5 =	sld [smem:$0x3FFD];
	_ =	sdelay $0x3  }
0x9c: {  	_ =	strace s5  }
0x9d: {  	_ =	strace $0x8FFFFFFF  }
0x9e: {  	s19 =	sld [smem:$0x3FDB];
	_ =	sdelay $0x1  }
0x9f: {  	s6 =	simm.s32 $_scs_section_size  }
0xa0: {  	s7 =	simm.s32 $_size__tile_overlayer_lowered;
	s8 =	simm.s32 $_tile_overlayer_lowered  }
0xa1: {  	s22 =	simm.s32 $0x1BFF;
	s21 =	sshll.u32 s8, $0x1;
	s5 =	sadd.s32 s6, s19  }
0xa2: {  	s9 =	simm.s32 $0x0;
	s20 =	sshll.u32 s7, $0x1;
	s7 =	sadd.s32 s21, s5  }
0xa3: {  	[timem:s9], [sflag:s22] =	dma.local [hbm:s7], s20  }
0xa4: {  	_ =	swait.ge [sflag:s22], s20  }
0xa5: {  	s6 =	ssub.s32 $0x0, s20;
	[sflag:s22] =	ssyncset.done $0x0  }
0xa6: {  	[sflag:s22] =	ssyncadd.s32 s6;
	_ =	sdelay $0x1  }
0xa7: {  	s23 =	simm.s32 $0x1B8B  }
0xa8: {  	_ =	swait.ge [sflag:s23], $0x1  }
0xa9: {  	[sflag:s23] =	ssyncset.done $0x0  }
0xaa: {  	s25 =	simm.s32 $0x1B8E;
	s24 =	sld [smem:$0x3FFE];
	[sflag:s23] =	ssyncadd.s32 $0xFFFFFFFF  }
0xab: {  	s26 =	simm.s32 $execute0_lowered;
	[smem:$0x3FD2] =	sst s25  }
0xac: {  	s7 =	sshll.u32 s26, $0x1;
	_ =	strace $0x80000046;
	[dreg:$0x1] =	wrdreg $0xFFFFFFFF  }
0xad: {  	s28 =	simm.s32 $_size_execute0_lowered;
	s5 =	sadd.s32 s5, s7;
	[dreg:$0x0] =	wrdreg $0x0  }
0xae: {  	s7 =	sshll.u32 s28, $0x1;
	[dreg:$0x2] =	wrdreg s5  }
0xaf: {  	[dreg:$0x3] =	wrdreg s7  }
0xb0: {  	[dreg:$0x4] =	wrdreg $0xC0  }
0xb1: {  	_ =	task [dreg:s9], $0x5FFFF  }
0xb2: {  	[dreg:$0x1] =	wrdreg $0xFFFFFFFF  }
0xb3: {  	[dreg:$0x0] =	wrdreg $0x60  }
0xb4: {  	[dreg:$0x2] =	wrdreg s17  }
0xb5: {  	[dreg:$0x3] =	wrdreg s15  }
0xb6: {  	[dreg:$0x4] =	wrdreg s16  }
0xb7: {  	[dreg:$0x5] =	wrdreg s24  }
0xb8: {  	[dreg:$0x6] =	wrdreg $0x9  }
0xb9: {  	_ =	task.clear_ibuf [dreg:s9], $0x7FFFF;
	_ =	strace $0x90000046  }
0xba: {  	s29 =	simm.s32 $0x9;
	_ =	strace $0x80000048  }
0xbb: {  	_ =	swait.ge [sflag:s29], $0x1  }
0xbc: {  	[sflag:s29] =	ssyncadd.s32 $0xFFFFFFFF  }
0xbd: {  	_ =	strace $0x90000048  }
0xbe: {  	_ =	sfence  }
0xbf: {  	s30 =	sld [smem:$0x0];
	_ =	sdelay $0x2  }
0xc0: {  	s31 =	sshll.u32 s1, $0xD;
	s1 =	sshrl.u32 s1, $0x2  }
0xc1: {  	s3 =	sand.u32 $0x4000, s31;
	s1 =	sadd.s32 s1, s30  }
0xc2: {  	s0 =	sor.u32 s3, s0;
	s1 =	sshll.u32 s1, $0x11  }
0xc3: {  	s0 =	sor.u32 s1, s0  }
0xc4: {  	s0 =	sadd.s32 $0x8F2B, s0  }
0xc5: {  	[sflag:s0] =	ssyncadd.remote.s32 $0x1  }
0xc6: {  	_ =	sfence.sel $0xFFFF  }
0xc7: {  	[dreg:$0x0] =	wrdreg $0xFFFFFFFF;
	(pc) =	sbr.abs _section_cstart, $3  }
0xc8: {  	[dreg:$0x1] =	wrdreg $0xFFFFFFFF  }
0xc9: {  	_ =	task.clear_ibuf [dreg:s9], $0x2FFFF;
	_ =	strace $0x9FFFFFFF  }
0xca: {  	(tm) =	ssettm $0x7FFFFFFF  }
0xcb: {  	_ =	shalt  }
tec
execute0_lowered:
.L_overlay_start_1:
0x0: {  	(tag) =	ssettag $0x1  }
0x1: {  	s3 =	rddreg [dreg:$0x0]  }
0x2: {  	s4 =	rddreg [dreg:$0x1]  }
0x3: {  	s6 =	rddreg [dreg:$0x2]  }
0x4: {  	s5 =	rddreg [dreg:$0x3]  }
0x5: {  	s0 =	rddreg [dreg:$0x4]  }
0x6: {  	s2 =	simm.s32 $0x0;
	s7 =	srdreg.scid;
	s1 =	stileid.u32  }
0x7: {  	s11 =	simm.s32 $0x1;
	s7 =	sand.u32 $0x1, s7;
	s8 =	sshll.u32 s1, $0x1  }
0x8: {  	s12 =	simm.s32 $0x0;
	[smem:$0x7FF] =	sst s2;
	s8 =	sor.u32 s7, s8  }
0x9: {  	_ =	strace $0x80000047;
	s7 =	ssub.s32 $0x2, s7;
	s9 =	sshll.u32 s8, $0x9  }
0xa: {  	s10 =	sshrl.u32 s7, $0x1;
	s8 =	sshll.u32 s8, $0xB;
	s5 =	sadd.s32 s9, s5  }
0xb: {  	s7 =	ssub.s32 s7, s10;
	s3 =	sadd.s32 s3, s8;
	s4 =	sadd.s32 s4, s9  }
0xc: {  	s6 =	sadd.s32 s6, s8;
	s8 =	simm.s32 $0x4000;
	s9 =	simm.s32 $0x2  }
0xd: {  	s10 =	simm.s32 $0x5000;
	s5 =	sadd.s32 $0xA00, s5;
	s7 =	smax.u32 s7, $0x1  }
.LBB2_1:
0xe: {  	[tilespmem:s2], [sflag:$0x1] =	stream.linear.gather [hbm4b:s3+s2], $0x4000, $0x38;
	[tilespmem:$0x6000] =	vst v63  }
0xf: {  	_ = 	snop  }
0x10: {  	[tilespmem:s2], [sflag:$0x1] =	stream.linear.gather [hbm4b:s3+s2], $0x4000, $0x38;
	[tilespmem:$0x6000] =	vst v63  }
0x11: {  	_ = 	snop  }
0x12: {  	[tilespmem:s8], [sflag:$0x2] =	stream.linear.gather [hbm4b:s4+s2], $0x1000, $0x38;
	[tilespmem:$0x6000] =	vst v63  }
0x13: {  	_ =	swait.ge [sflag:s9], $0x1000  }
0x14: {  	[sflag:s9] =	ssyncset.done $0x0  }
0x15: {  	s13 =	simm.s32 $0x0;
	[sflag:s9] =	ssyncadd.s32 $0xFFFFF000  }
0x16: {  	v0 =	vld [tilespmem:s13+$0x4000];
	_ =	sdelay $0x4  }
0x17: {  	vm0 =	vlt.f32 v0, $0.0e+00;
	vm1 =	vgt.f32 v0, $0.0e+00  }
0x18: {  	v0 =	vand.u32 $0x7FFFFFFF, v0;
	vm0 =	vmor vm1, vm0  }
0x19: {  	s14 =	simm.s32 $0x10;
	v0 =	vsel vm0, $0x3F800000, v0  }
0x1a: {  	v1 =	vtrunc.f32 v0;
	v0 =	vld [tilespmem:s14+$0x4000];
	_ =	sdelay $0x2  }
0x1b: {  	s15 =	simm.s32 $0x80;
	v1 =	vcvt.f32.s32 v1  }
.LBB2_2:
0x1c: {  	p0 =	sne.s32 s15, $0x3FC0  }
.Ltmp0:
0x1d: {  	s16 =	sshra.s32 s15, $0x2;
	s15 =	sadd.s32 $0x40, s15;
	vm0 =	vlt.f32 v0, $0.0e+00;
	vm1 =	vgt.f32 v0, $0.0e+00;
	[tilespmem:s13+$0x5000] =	vst v1;
	(pc) =	sbr.rel @p0 .LBB2_2-.Ltmp0, $4  }
0x1e: {  	v1 =	vand.u32 $0x7FFFFFFF, v0;
	s13 =	smov.u32 s14;
	s14 =	smov.u32 s16;
	v0 =	vld [tilespmem:s16+$0x4000];
	vm0 =	vmor vm1, vm0  }
0x1f: {  	v1 =	vsel vm0, $0x3F800000, v1  }
0x20: {  	v1 =	vtrunc.f32 v1  }
0x21: {  	v1 =	vcvt.f32.s32 v1  }
0x22: {  	_ = 	snop  }
0x23: {  	vm0 =	vlt.f32 v0, $0.0e+00;
	vm1 =	vgt.f32 v0, $0.0e+00  }
0x24: {  	v63 =	vand.u32 $0x7FFFFFFF, v0;
	vm0 =	vmor vm1, vm0  }
0x25: {  	v0 =	vsel vm0, $0x3F800000, v63  }
0x26: {  	v0 =	vtrunc.f32 v0  }
0x27: {  	v0 =	vcvt.f32.s32 v0  }
0x28: {  	[tilespmem:s13+$0x5000] =	vst v1  }
0x29: {  	[tilespmem:s14+$0x5000] =	vst v0  }
0x2a: {  	[hbm4b:s5+s2] =	stream.linear.scatter [tilespmem:s10], [sflag:$0x2], $0x1000, $0x38;
	[tilespmem:$0x6000] =	vst v63  }
0x2b: {  	_ =	swait.ge [sflag:s9], $0x1000  }
0x2c: {  	[sflag:s9] =	ssyncset.done $0x0  }
0x2d: {  	[sflag:s9] =	ssyncadd.s32 $0xFFFFF000  }
0x2e: {  	[tilespmem:s2], [sflag:$0x1] =	stream.linear.gather [hbm4b:s3+s2], $0x4000, $0x38;
	[tilespmem:$0x6000] =	vst v63  }
0x2f: {  	s12 =	sadd.s32 $0x1, s12;
	_ =	swait.ge [sflag:s11], $0x4000  }
0x30: {  	p0 =	sne.s32 s12, s7;
	[sflag:s11] =	ssyncset.done $0x0  }
.Ltmp1:
0x31: {  	[sflag:s11] =	ssyncadd.s32 $0xFFFFC000;
	(pc) =	sbr.rel @p0 .LBB2_1-.Ltmp1, $4  }
0x32: {  	[hbm4b:s6+s2] =	stream.linear.scatter [tilespmem:s2], [sflag:$0x2], $0x4000, $0x38;
	[tilespmem:$0x6000] =	vst v63  }
0x33: {  	_ =	swait.ge [sflag:s9], $0x4000  }
0x34: {  	[sflag:s9] =	ssyncset.done $0x0  }
0x35: {  	[sflag:s9] =	ssyncadd.s32 $0xFFFFC000  }
0x36: {  	_ =	sfence.sel $0x180000  }
0x37: {  	[bflag:$0x0] =	sbarrier.arrive $0xFFFF  }
0x38: {  	p0 =	sne.s32 s1, $0x0;
	_ =	strace $0x90000047  }
0x39: {  	s0 =	sadd.s32 @!p0 $0x100000, s0;
	[bflag:$0x2] =	sbarrier.arrive $0xFFFF  }
0x3a: {  	[sflag:s0] =	ssyncadd.tile.s32 @!p0 $0x1;
	_ =	shalt  }
.Lfunc_end2:
_tile_overlayer_lowered:
.L_overlay_start_2:
0x3b: {  	(tag) =	ssettag $0x2  }
0x3c: {  	s0 =	rddreg [dreg:$0x0];
	s2 =	stileid.u32  }
0x3d: {  	s1 =	rddreg [dreg:$0x1];
	p0 =	sne.s32 s2, $0x0  }
0x3e: {  	s3 =	rddreg [dreg:$0x2];
	[bflag:$0x3] =	sbarrier.arrive $0xFFFF;
	s2 =	simm.s32 @!p0 $0x1C02  }
0x3f: {  	[timem:s3], [sflag:s2] =	dma.local @!p0 [hbm:s0], s1  }
0x40: {  	s0 =	simm.s32 @!p0 $0x2  }
0x41: {  	_ =	swait.ge @!p0 [sflag:s0], s1  }
0x42: {  	s1 =	ssub.s32 @!p0 $0x0, s1;
	[sflag:s0] =	ssyncset.done @!p0 $0x0  }
0x43: {  	[sflag:s0] =	ssyncadd.s32 @!p0 s1  }
0x44: {  	[bflag:$0x3] =	sbarrier.arrive $0xFFFF  }
0x45: {  	_ =	shalt  }

</sc_bundles>
